<compile_context>
chip_gen: v7x
topology: tpu7x:2x2x1
jax: 0.10.2.dev20260603
libtpu: 0.0.44.dev20260713+nightly
codegen_flags: <defaults>
</compile_context>

<pallas_src>
import functools

import jax
import jax.numpy as jnp
from jax.experimental import pallas as pl
from jax.experimental.pallas import tpu as pltpu

_TAU0 = 0.5
_K = 16


def _body(logits_ref, u2_ref, out_ref, *, K, D):
    l = logits_ref[...]
    m = jnp.max(l, axis=-1, keepdims=True)
    e = jnp.exp(2.0 * (l - m))
    ns = []
    rs = []
    for k in range(K):
        g = jnp.log2(jnp.maximum(u2_ref[:, k * D:(k + 1) * D], 1e-10))
        n = e * pl.reciprocal(g * g, approx=True, full_range=False)
        ns.append(n)
        s = jnp.sum(n, axis=-1, keepdims=True)
        rs.append(pl.reciprocal(s, approx=True, full_range=False))
    acc = ns[0] * rs[0]
    for k in range(1, K):
        acc = jnp.maximum(acc, ns[k] * rs[k])
    out_ref[...] = acc


@jax.jit
def kernel(logits, uniform):
    B, D = logits.shape
    K = uniform.shape[1]
    u2 = uniform.reshape(B, K * D)
    bb = 8
    grid = (B // bb,)
    return pl.pallas_call(
        functools.partial(_body, K=K, D=D),
        grid=grid,
        in_specs=[
            pl.BlockSpec((bb, D), lambda i: (i, 0)),
            pl.BlockSpec((bb, K * D), lambda i: (i, 0)),
        ],
        out_specs=pl.BlockSpec((bb, D), lambda i: (i, 0)),
        out_shape=jax.ShapeDtypeStruct((B, D), logits.dtype),
        compiler_params=pltpu.CompilerParams(
            dimension_semantics=("arbitrary",),
        ),
    )(logits, u2)

# --- scband reference (transcript-rebuilt; emitter-appended) ---
"""Pipeline reference for scband-sample-concrete-24936580121125 (READ-ONLY COPY).

The authoritative reference and input builder live on the scoring server;
editing this copy changes nothing except your own understanding.
"""

import jax, jax.numpy as jnp
import numpy as np

TAU0 = 0.5
K = 16

def setup_inputs(seed: int = 0) -> dict:
    key = jax.random.key(seed)
    k1, k2 = jax.random.split(key)
    logits = jax.random.normal(k1, (128, 8192), dtype=jnp.float32)
    # torch generates uniform noise internally via torch.rand; we materialize it here
    # so the reference is deterministic. Shape: (batch, k, d)
    uniform = jax.random.uniform(k2, (128, K, 8192), dtype=jnp.float32)
    return {"logits": logits, "uniform": uniform}

def reference(logits, uniform):
    logits_ = logits[:, None, :]  # (B, 1, d)
    u = jnp.clip(uniform, 1e-10, None)
    gumbel = -jnp.log(-jnp.log(u))  # (B, K, d)
    noisy_logits = (gumbel + logits_) / TAU0
    samples = jax.nn.softmax(noisy_logits, axis=-1)  # (B, K, d)
    samples = jnp.max(samples, axis=1)  # (B, d)
    return samples

if __name__ == "__main__":
    import jax
    _d = setup_inputs()
    print(jax.jit(kernel)(*tuple(_d.values())))

</pallas_src>

<mosaic_0001>
module attributes {stable_mosaic.version = 14 : i64} {
  func.func @_body(%arg0: i32, %arg1: memref<8x8192xf32, #tpu.memory_space<vmem>>, %arg2: memref<8x131072xf32, #tpu.memory_space<vmem>>, %arg3: memref<8x8192xf32, #tpu.memory_space<vmem>>) attributes {dimension_semantics = [#tpu.dimension_semantics<arbitrary>], iteration_bounds = array<i64: 16>, scalar_prefetch = 0 : i64, scratch_operands = 0 : i64, tpu.core_type = #tpu.core_type<tc>, window_params = [{transform_indices = @transform_0, window_bounds = array<i64: 8, 8192>}, {transform_indices = @transform_1, window_bounds = array<i64: 8, 131072>}, {transform_indices = @transform_2, window_bounds = array<i64: 8, 8192>}]} {
    %get3A = arith.constant 0 : index
    %get3A_0 = arith.constant 0 : index
    %get3A_1 = vector.load %arg1[%get3A, %get3A_0] : memref<8x8192xf32, #tpu.memory_space<vmem>>, vector<8x8192xf32>
    %reduce_max3A = arith.constant dense<0xFF800000> : vector<8xf32>
    %reduce_max3A_2 = vector.multi_reduction <maximumf>, %get3A_1, %reduce_max3A [1] : vector<8x8192xf32> to vector<8xf32>
    %broadcast_in_dim3A = vector.shape_cast %reduce_max3A_2 : vector<8xf32> to vector<8x1xf32>
    %sub3A = vector.broadcast %broadcast_in_dim3A : vector<8x1xf32> to vector<8x8192xf32>
    %sub3A_3 = arith.subf %get3A_1, %sub3A : vector<8x8192xf32>
    %mul3A = arith.constant 2.000000e+00 : f32
    %mul3A_4 = vector.broadcast %mul3A : f32 to vector<8x8192xf32>
    %mul3A_5 = arith.mulf %mul3A_4, %sub3A_3 : vector<8x8192xf32>
    %exp3A = math.exp %mul3A_5 : vector<8x8192xf32>
    %get3A_6 = arith.constant 0 : index
    %get3A_7 = arith.constant 0 : index
    %get3A_8 = vector.load %arg2[%get3A_6, %get3A_7] : memref<8x131072xf32, #tpu.memory_space<vmem>>, vector<8x8192xf32>
    %max3A = arith.constant 1.000000e-10 : f32
    %max3A_9 = vector.broadcast %max3A : f32 to vector<8x8192xf32>
    %max3A_10 = arith.maximumf %get3A_8, %max3A_9 : vector<8x8192xf32>
    %log3A = math.log %max3A_10 : vector<8x8192xf32>
    %log3A_11 = arith.constant 2.000000e+00 : f32
    %log3A_12 = math.log %log3A_11 : f32
    %div3A = vector.broadcast %log3A_12 : f32 to vector<8x8192xf32>
    %div3A_13 = arith.divf %log3A, %div3A : vector<8x8192xf32>
    %mul3A_14 = arith.mulf %div3A_13, %div3A_13 : vector<8x8192xf32>
    %reciprocal3A = tpu.reciprocal %mul3A_14 {approx = true, full_range = false} : vector<8x8192xf32> -> vector<8x8192xf32>
    %mul3A_15 = arith.mulf %exp3A, %reciprocal3A : vector<8x8192xf32>
    %reduce_sum3A = arith.constant dense<0.000000e+00> : vector<8xf32>
    %reduce_sum3A_16 = vector.multi_reduction <add>, %mul3A_15, %reduce_sum3A [1] : vector<8x8192xf32> to vector<8xf32>
    %broadcast_in_dim3A_17 = vector.shape_cast %reduce_sum3A_16 : vector<8xf32> to vector<8x1xf32>
    %reciprocal3A_18 = tpu.reciprocal %broadcast_in_dim3A_17 {approx = true, full_range = false} : vector<8x1xf32> -> vector<8x1xf32>
    %get3A_19 = arith.constant 0 : index
    %get3A_20 = arith.constant 8192 : index
    %get3A_21 = vector.load %arg2[%get3A_19, %get3A_20] : memref<8x131072xf32, #tpu.memory_space<vmem>>, vector<8x8192xf32>
    %max3A_22 = arith.constant 1.000000e-10 : f32
    %max3A_23 = vector.broadcast %max3A_22 : f32 to vector<8x8192xf32>
    %max3A_24 = arith.maximumf %get3A_21, %max3A_23 : vector<8x8192xf32>
    %log3A_25 = math.log %max3A_24 : vector<8x8192xf32>
    %log3A_26 = arith.constant 2.000000e+00 : f32
    %log3A_27 = math.log %log3A_26 : f32
    %div3A_28 = vector.broadcast %log3A_27 : f32 to vector<8x8192xf32>
    %div3A_29 = arith.divf %log3A_25, %div3A_28 : vector<8x8192xf32>
    %mul3A_30 = arith.mulf %div3A_29, %div3A_29 : vector<8x8192xf32>
    %reciprocal3A_31 = tpu.reciprocal %mul3A_30 {approx = true, full_range = false} : vector<8x8192xf32> -> vector<8x8192xf32>
    %mul3A_32 = arith.mulf %exp3A, %reciprocal3A_31 : vector<8x8192xf32>
    %reduce_sum3A_33 = arith.constant dense<0.000000e+00> : vector<8xf32>
    %reduce_sum3A_34 = vector.multi_reduction <add>, %mul3A_32, %reduce_sum3A_33 [1] : vector<8x8192xf32> to vector<8xf32>
    %broadcast_in_dim3A_35 = vector.shape_cast %reduce_sum3A_34 : vector<8xf32> to vector<8x1xf32>
    %reciprocal3A_36 = tpu.reciprocal %broadcast_in_dim3A_35 {approx = true, full_range = false} : vector<8x1xf32> -> vector<8x1xf32>
    %get3A_37 = arith.constant 0 : index
    %get3A_38 = arith.constant 16384 : index
    %get3A_39 = vector.load %arg2[%get3A_37, %get3A_38] : memref<8x131072xf32, #tpu.memory_space<vmem>>, vector<8x8192xf32>
    %max3A_40 = arith.constant 1.000000e-10 : f32
    %max3A_41 = vector.broadcast %max3A_40 : f32 to vector<8x8192xf32>
    %max3A_42 = arith.maximumf %get3A_39, %max3A_41 : vector<8x8192xf32>
    %log3A_43 = math.log %max3A_42 : vector<8x8192xf32>
    %log3A_44 = arith.constant 2.000000e+00 : f32
    %log3A_45 = math.log %log3A_44 : f32
    %div3A_46 = vector.broadcast %log3A_45 : f32 to vector<8x8192xf32>
    %div3A_47 = arith.divf %log3A_43, %div3A_46 : vector<8x8192xf32>
    %mul3A_48 = arith.mulf %div3A_47, %div3A_47 : vector<8x8192xf32>
    %reciprocal3A_49 = tpu.reciprocal %mul3A_48 {approx = true, full_range = false} : vector<8x8192xf32> -> vector<8x8192xf32>
    %mul3A_50 = arith.mulf %exp3A, %reciprocal3A_49 : vector<8x8192xf32>
    %reduce_sum3A_51 = arith.constant dense<0.000000e+00> : vector<8xf32>
    %reduce_sum3A_52 = vector.multi_reduction <add>, %mul3A_50, %reduce_sum3A_51 [1] : vector<8x8192xf32> to vector<8xf32>
    %broadcast_in_dim3A_53 = vector.shape_cast %reduce_sum3A_52 : vector<8xf32> to vector<8x1xf32>
    %reciprocal3A_54 = tpu.reciprocal %broadcast_in_dim3A_53 {approx = true, full_range = false} : vector<8x1xf32> -> vector<8x1xf32>
    %get3A_55 = arith.constant 0 : index
    %get3A_56 = arith.constant 24576 : index
    %get3A_57 = vector.load %arg2[%get3A_55, %get3A_56] : memref<8x131072xf32, #tpu.memory_space<vmem>>, vector<8x8192xf32>
    %max3A_58 = arith.constant 1.000000e-10 : f32
    %max3A_59 = vector.broadcast %max3A_58 : f32 to vector<8x8192xf32>
    %max3A_60 = arith.maximumf %get3A_57, %max3A_59 : vector<8x8192xf32>
    %log3A_61 = math.log %max3A_60 : vector<8x8192xf32>
    %log3A_62 = arith.constant 2.000000e+00 : f32
    %log3A_63 = math.log %log3A_62 : f32
    %div3A_64 = vector.broadcast %log3A_63 : f32 to vector<8x8192xf32>
    %div3A_65 = arith.divf %log3A_61, %div3A_64 : vector<8x8192xf32>
    %mul3A_66 = arith.mulf %div3A_65, %div3A_65 : vector<8x8192xf32>
    %reciprocal3A_67 = tpu.reciprocal %mul3A_66 {approx = true, full_range = false} : vector<8x8192xf32> -> vector<8x8192xf32>
    %mul3A_68 = arith.mulf %exp3A, %reciprocal3A_67 : vector<8x8192xf32>
    %reduce_sum3A_69 = arith.constant dense<0.000000e+00> : vector<8xf32>
    %reduce_sum3A_70 = vector.multi_reduction <add>, %mul3A_68, %reduce_sum3A_69 [1] : vector<8x8192xf32> to vector<8xf32>
    %broadcast_in_dim3A_71 = vector.shape_cast %reduce_sum3A_70 : vector<8xf32> to vector<8x1xf32>
    %reciprocal3A_72 = tpu.reciprocal %broadcast_in_dim3A_71 {approx = true, full_range = false} : vector<8x1xf32> -> vector<8x1xf32>
    %get3A_73 = arith.constant 0 : index
    %get3A_74 = arith.constant 32768 : index
    %get3A_75 = vector.load %arg2[%get3A_73, %get3A_74] : memref<8x131072xf32, #tpu.memory_space<vmem>>, vector<8x8192xf32>
    %max3A_76 = arith.constant 1.000000e-10 : f32
    %max3A_77 = vector.broadcast %max3A_76 : f32 to vector<8x8192xf32>
    %max3A_78 = arith.maximumf %get3A_75, %max3A_77 : vector<8x8192xf32>
    %log3A_79 = math.log %max3A_78 : vector<8x8192xf32>
    %log3A_80 = arith.constant 2.000000e+00 : f32
    %log3A_81 = math.log %log3A_80 : f32
    %div3A_82 = vector.broadcast %log3A_81 : f32 to vector<8x8192xf32>
    %div3A_83 = arith.divf %log3A_79, %div3A_82 : vector<8x8192xf32>
    %mul3A_84 = arith.mulf %div3A_83, %div3A_83 : vector<8x8192xf32>
    %reciprocal3A_85 = tpu.reciprocal %mul3A_84 {approx = true, full_range = false} : vector<8x8192xf32> -> vector<8x8192xf32>
    %mul3A_86 = arith.mulf %exp3A, %reciprocal3A_85 : vector<8x8192xf32>
    %reduce_sum3A_87 = arith.constant dense<0.000000e+00> : vector<8xf32>
    %reduce_sum3A_88 = vector.multi_reduction <add>, %mul3A_86, %reduce_sum3A_87 [1] : vector<8x8192xf32> to vector<8xf32>
    %broadcast_in_dim3A_89 = vector.shape_cast %reduce_sum3A_88 : vector<8xf32> to vector<8x1xf32>
    %reciprocal3A_90 = tpu.reciprocal %broadcast_in_dim3A_89 {approx = true, full_range = false} : vector<8x1xf32> -> vector<8x1xf32>
    %get3A_91 = arith.constant 0 : index
    %get3A_92 = arith.constant 40960 : index
    %get3A_93 = vector.load %arg2[%get3A_91, %get3A_92] : memref<8x131072xf32, #tpu.memory_space<vmem>>, vector<8x8192xf32>
    %max3A_94 = arith.constant 1.000000e-10 : f32
    %max3A_95 = vector.broadcast %max3A_94 : f32 to vector<8x8192xf32>
    %max3A_96 = arith.maximumf %get3A_93, %max3A_95 : vector<8x8192xf32>
    %log3A_97 = math.log %max3A_96 : vector<8x8192xf32>
    %log3A_98 = arith.constant 2.000000e+00 : f32
    %log3A_99 = math.log %log3A_98 : f32
    %div3A_100 = vector.broadcast %log3A_99 : f32 to vector<8x8192xf32>
    %div3A_101 = arith.divf %log3A_97, %div3A_100 : vector<8x8192xf32>
    %mul3A_102 = arith.mulf %div3A_101, %div3A_101 : vector<8x8192xf32>
    %reciprocal3A_103 = tpu.reciprocal %mul3A_102 {approx = true, full_range = false} : vector<8x8192xf32> -> vector<8x8192xf32>
    %mul3A_104 = arith.mulf %exp3A, %reciprocal3A_103 : vector<8x8192xf32>
    %reduce_sum3A_105 = arith.constant dense<0.000000e+00> : vector<8xf32>
    %reduce_sum3A_106 = vector.multi_reduction <add>, %mul3A_104, %reduce_sum3A_105 [1] : vector<8x8192xf32> to vector<8xf32>
    %broadcast_in_dim3A_107 = vector.shape_cast %reduce_sum3A_106 : vector<8xf32> to vector<8x1xf32>
    %reciprocal3A_108 = tpu.reciprocal %broadcast_in_dim3A_107 {approx = true, full_range = false} : vector<8x1xf32> -> vector<8x1xf32>
    %get3A_109 = arith.constant 0 : index
    %get3A_110 = arith.constant 49152 : index
    %get3A_111 = vector.load %arg2[%get3A_109, %get3A_110] : memref<8x131072xf32, #tpu.memory_space<vmem>>, vector<8x8192xf32>
    %max3A_112 = arith.constant 1.000000e-10 : f32
    %max3A_113 = vector.broadcast %max3A_112 : f32 to vector<8x8192xf32>
    %max3A_114 = arith.maximumf %get3A_111, %max3A_113 : vector<8x8192xf32>
    %log3A_115 = math.log %max3A_114 : vector<8x8192xf32>
    %log3A_116 = arith.constant 2.000000e+00 : f32
    %log3A_117 = math.log %log3A_116 : f32
    %div3A_118 = vector.broadcast %log3A_117 : f32 to vector<8x8192xf32>
    %div3A_119 = arith.divf %log3A_115, %div3A_118 : vector<8x8192xf32>
    %mul3A_120 = arith.mulf %div3A_119, %div3A_119 : vector<8x8192xf32>
    %reciprocal3A_121 = tpu.reciprocal %mul3A_120 {approx = true, full_range = false} : vector<8x8192xf32> -> vector<8x8192xf32>
    %mul3A_122 = arith.mulf %exp3A, %reciprocal3A_121 : vector<8x8192xf32>
    %reduce_sum3A_123 = arith.constant dense<0.000000e+00> : vector<8xf32>
    %reduce_sum3A_124 = vector.multi_reduction <add>, %mul3A_122, %reduce_sum3A_123 [1] : vector<8x8192xf32> to vector<8xf32>
    %broadcast_in_dim3A_125 = vector.shape_cast %reduce_sum3A_124 : vector<8xf32> to vector<8x1xf32>
    %reciprocal3A_126 = tpu.reciprocal %broadcast_in_dim3A_125 {approx = true, full_range = false} : vector<8x1xf32> -> vector<8x1xf32>
    %get3A_127 = arith.constant 0 : index
    %get3A_128 = arith.constant 57344 : index
    %get3A_129 = vector.load %arg2[%get3A_127, %get3A_128] : memref<8x131072xf32, #tpu.memory_space<vmem>>, vector<8x8192xf32>
    %max3A_130 = arith.constant 1.000000e-10 : f32
    %max3A_131 = vector.broadcast %max3A_130 : f32 to vector<8x8192xf32>
    %max3A_132 = arith.maximumf %get3A_129, %max3A_131 : vector<8x8192xf32>
    %log3A_133 = math.log %max3A_132 : vector<8x8192xf32>
    %log3A_134 = arith.constant 2.000000e+00 : f32
    %log3A_135 = math.log %log3A_134 : f32
    %div3A_136 = vector.broadcast %log3A_135 : f32 to vector<8x8192xf32>
    %div3A_137 = arith.divf %log3A_133, %div3A_136 : vector<8x8192xf32>
    %mul3A_138 = arith.mulf %div3A_137, %div3A_137 : vector<8x8192xf32>
    %reciprocal3A_139 = tpu.reciprocal %mul3A_138 {approx = true, full_range = false} : vector<8x8192xf32> -> vector<8x8192xf32>
    %mul3A_140 = arith.mulf %exp3A, %reciprocal3A_139 : vector<8x8192xf32>
    %reduce_sum3A_141 = arith.constant dense<0.000000e+00> : vector<8xf32>
    %reduce_sum3A_142 = vector.multi_reduction <add>, %mul3A_140, %reduce_sum3A_141 [1] : vector<8x8192xf32> to vector<8xf32>
    %broadcast_in_dim3A_143 = vector.shape_cast %reduce_sum3A_142 : vector<8xf32> to vector<8x1xf32>
    %reciprocal3A_144 = tpu.reciprocal %broadcast_in_dim3A_143 {approx = true, full_range = false} : vector<8x1xf32> -> vector<8x1xf32>
    %get3A_145 = arith.constant 0 : index
    %get3A_146 = arith.constant 65536 : index
    %get3A_147 = vector.load %arg2[%get3A_145, %get3A_146] : memref<8x131072xf32, #tpu.memory_space<vmem>>, vector<8x8192xf32>
    %max3A_148 = arith.constant 1.000000e-10 : f32
    %max3A_149 = vector.broadcast %max3A_148 : f32 to vector<8x8192xf32>
    %max3A_150 = arith.maximumf %get3A_147, %max3A_149 : vector<8x8192xf32>
    %log3A_151 = math.log %max3A_150 : vector<8x8192xf32>
    %log3A_152 = arith.constant 2.000000e+00 : f32
    %log3A_153 = math.log %log3A_152 : f32
    %div3A_154 = vector.broadcast %log3A_153 : f32 to vector<8x8192xf32>
    %div3A_155 = arith.divf %log3A_151, %div3A_154 : vector<8x8192xf32>
    %mul3A_156 = arith.mulf %div3A_155, %div3A_155 : vector<8x8192xf32>
    %reciprocal3A_157 = tpu.reciprocal %mul3A_156 {approx = true, full_range = false} : vector<8x8192xf32> -> vector<8x8192xf32>
    %mul3A_158 = arith.mulf %exp3A, %reciprocal3A_157 : vector<8x8192xf32>
    %reduce_sum3A_159 = arith.constant dense<0.000000e+00> : vector<8xf32>
    %reduce_sum3A_160 = vector.multi_reduction <add>, %mul3A_158, %reduce_sum3A_159 [1] : vector<8x8192xf32> to vector<8xf32>
    %broadcast_in_dim3A_161 = vector.shape_cast %reduce_sum3A_160 : vector<8xf32> to vector<8x1xf32>
    %reciprocal3A_162 = tpu.reciprocal %broadcast_in_dim3A_161 {approx = true, full_range = false} : vector<8x1xf32> -> vector<8x1xf32>
    %get3A_163 = arith.constant 0 : index
    %get3A_164 = arith.constant 73728 : index
    %get3A_165 = vector.load %arg2[%get3A_163, %get3A_164] : memref<8x131072xf32, #tpu.memory_space<vmem>>, vector<8x8192xf32>
    %max3A_166 = arith.constant 1.000000e-10 : f32
    %max3A_167 = vector.broadcast %max3A_166 : f32 to vector<8x8192xf32>
    %max3A_168 = arith.maximumf %get3A_165, %max3A_167 : vector<8x8192xf32>
    %log3A_169 = math.log %max3A_168 : vector<8x8192xf32>
    %log3A_170 = arith.constant 2.000000e+00 : f32
    %log3A_171 = math.log %log3A_170 : f32
    %div3A_172 = vector.broadcast %log3A_171 : f32 to vector<8x8192xf32>
    %div3A_173 = arith.divf %log3A_169, %div3A_172 : vector<8x8192xf32>
    %mul3A_174 = arith.mulf %div3A_173, %div3A_173 : vector<8x8192xf32>
    %reciprocal3A_175 = tpu.reciprocal %mul3A_174 {approx = true, full_range = false} : vector<8x8192xf32> -> vector<8x8192xf32>
    %mul3A_176 = arith.mulf %exp3A, %reciprocal3A_175 : vector<8x8192xf32>
    %reduce_sum3A_177 = arith.constant dense<0.000000e+00> : vector<8xf32>
    %reduce_sum3A_178 = vector.multi_reduction <add>, %mul3A_176, %reduce_sum3A_177 [1] : vector<8x8192xf32> to vector<8xf32>
    %broadcast_in_dim3A_179 = vector.shape_cast %reduce_sum3A_178 : vector<8xf32> to vector<8x1xf32>
    %reciprocal3A_180 = tpu.reciprocal %broadcast_in_dim3A_179 {approx = true, full_range = false} : vector<8x1xf32> -> vector<8x1xf32>
    %get3A_181 = arith.constant 0 : index
    %get3A_182 = arith.constant 81920 : index
    %get3A_183 = vector.load %arg2[%get3A_181, %get3A_182] : memref<8x131072xf32, #tpu.memory_space<vmem>>, vector<8x8192xf32>
    %max3A_184 = arith.constant 1.000000e-10 : f32
    %max3A_185 = vector.broadcast %max3A_184 : f32 to vector<8x8192xf32>
    %max3A_186 = arith.maximumf %get3A_183, %max3A_185 : vector<8x8192xf32>
    %log3A_187 = math.log %max3A_186 : vector<8x8192xf32>
    %log3A_188 = arith.constant 2.000000e+00 : f32
    %log3A_189 = math.log %log3A_188 : f32
    %div3A_190 = vector.broadcast %log3A_189 : f32 to vector<8x8192xf32>
    %div3A_191 = arith.divf %log3A_187, %div3A_190 : vector<8x8192xf32>
    %mul3A_192 = arith.mulf %div3A_191, %div3A_191 : vector<8x8192xf32>
    %reciprocal3A_193 = tpu.reciprocal %mul3A_192 {approx = true, full_range = false} : vector<8x8192xf32> -> vector<8x8192xf32>
    %mul3A_194 = arith.mulf %exp3A, %reciprocal3A_193 : vector<8x8192xf32>
    %reduce_sum3A_195 = arith.constant dense<0.000000e+00> : vector<8xf32>
    %reduce_sum3A_196 = vector.multi_reduction <add>, %mul3A_194, %reduce_sum3A_195 [1] : vector<8x8192xf32> to vector<8xf32>
    %broadcast_in_dim3A_197 = vector.shape_cast %reduce_sum3A_196 : vector<8xf32> to vector<8x1xf32>
    %reciprocal3A_198 = tpu.reciprocal %broadcast_in_dim3A_197 {approx = true, full_range = false} : vector<8x1xf32> -> vector<8x1xf32>
    %get3A_199 = arith.constant 0 : index
    %get3A_200 = arith.constant 90112 : index
    %get3A_201 = vector.load %arg2[%get3A_199, %get3A_200] : memref<8x131072xf32, #tpu.memory_space<vmem>>, vector<8x8192xf32>
    %max3A_202 = arith.constant 1.000000e-10 : f32
    %max3A_203 = vector.broadcast %max3A_202 : f32 to vector<8x8192xf32>
    %max3A_204 = arith.maximumf %get3A_201, %max3A_203 : vector<8x8192xf32>
    %log3A_205 = math.log %max3A_204 : vector<8x8192xf32>
    %log3A_206 = arith.constant 2.000000e+00 : f32
    %log3A_207 = math.log %log3A_206 : f32
    %div3A_208 = vector.broadcast %log3A_207 : f32 to vector<8x8192xf32>
    %div3A_209 = arith.divf %log3A_205, %div3A_208 : vector<8x8192xf32>
    %mul3A_210 = arith.mulf %div3A_209, %div3A_209 : vector<8x8192xf32>
    %reciprocal3A_211 = tpu.reciprocal %mul3A_210 {approx = true, full_range = false} : vector<8x8192xf32> -> vector<8x8192xf32>
    %mul3A_212 = arith.mulf %exp3A, %reciprocal3A_211 : vector<8x8192xf32>
    %reduce_sum3A_213 = arith.constant dense<0.000000e+00> : vector<8xf32>
    %reduce_sum3A_214 = vector.multi_reduction <add>, %mul3A_212, %reduce_sum3A_213 [1] : vector<8x8192xf32> to vector<8xf32>
    %broadcast_in_dim3A_215 = vector.shape_cast %reduce_sum3A_214 : vector<8xf32> to vector<8x1xf32>
    %reciprocal3A_216 = tpu.reciprocal %broadcast_in_dim3A_215 {approx = true, full_range = false} : vector<8x1xf32> -> vector<8x1xf32>
    %get3A_217 = arith.constant 0 : index
    %get3A_218 = arith.constant 98304 : index
    %get3A_219 = vector.load %arg2[%get3A_217, %get3A_218] : memref<8x131072xf32, #tpu.memory_space<vmem>>, vector<8x8192xf32>
    %max3A_220 = arith.constant 1.000000e-10 : f32
    %max3A_221 = vector.broadcast %max3A_220 : f32 to vector<8x8192xf32>
    %max3A_222 = arith.maximumf %get3A_219, %max3A_221 : vector<8x8192xf32>
    %log3A_223 = math.log %max3A_222 : vector<8x8192xf32>
    %log3A_224 = arith.constant 2.000000e+00 : f32
    %log3A_225 = math.log %log3A_224 : f32
    %div3A_226 = vector.broadcast %log3A_225 : f32 to vector<8x8192xf32>
    %div3A_227 = arith.divf %log3A_223, %div3A_226 : vector<8x8192xf32>
    %mul3A_228 = arith.mulf %div3A_227, %div3A_227 : vector<8x8192xf32>
    %reciprocal3A_229 = tpu.reciprocal %mul3A_228 {approx = true, full_range = false} : vector<8x8192xf32> -> vector<8x8192xf32>
    %mul3A_230 = arith.mulf %exp3A, %reciprocal3A_229 : vector<8x8192xf32>
    %reduce_sum3A_231 = arith.constant dense<0.000000e+00> : vector<8xf32>
    %reduce_sum3A_232 = vector.multi_reduction <add>, %mul3A_230, %reduce_sum3A_231 [1] : vector<8x8192xf32> to vector<8xf32>
    %broadcast_in_dim3A_233 = vector.shape_cast %reduce_sum3A_232 : vector<8xf32> to vector<8x1xf32>
    %reciprocal3A_234 = tpu.reciprocal %broadcast_in_dim3A_233 {approx = true, full_range = false} : vector<8x1xf32> -> vector<8x1xf32>
    %get3A_235 = arith.constant 0 : index
    %get3A_236 = arith.constant 106496 : index
    %get3A_237 = vector.load %arg2[%get3A_235, %get3A_236] : memref<8x131072xf32, #tpu.memory_space<vmem>>, vector<8x8192xf32>
    %max3A_238 = arith.constant 1.000000e-10 : f32
    %max3A_239 = vector.broadcast %max3A_238 : f32 to vector<8x8192xf32>
    %max3A_240 = arith.maximumf %get3A_237, %max3A_239 : vector<8x8192xf32>
    %log3A_241 = math.log %max3A_240 : vector<8x8192xf32>
    %log3A_242 = arith.constant 2.000000e+00 : f32
    %log3A_243 = math.log %log3A_242 : f32
    %div3A_244 = vector.broadcast %log3A_243 : f32 to vector<8x8192xf32>
    %div3A_245 = arith.divf %log3A_241, %div3A_244 : vector<8x8192xf32>
    %mul3A_246 = arith.mulf %div3A_245, %div3A_245 : vector<8x8192xf32>
    %reciprocal3A_247 = tpu.reciprocal %mul3A_246 {approx = true, full_range = false} : vector<8x8192xf32> -> vector<8x8192xf32>
    %mul3A_248 = arith.mulf %exp3A, %reciprocal3A_247 : vector<8x8192xf32>
    %reduce_sum3A_249 = arith.constant dense<0.000000e+00> : vector<8xf32>
    %reduce_sum3A_250 = vector.multi_reduction <add>, %mul3A_248, %reduce_sum3A_249 [1] : vector<8x8192xf32> to vector<8xf32>
    %broadcast_in_dim3A_251 = vector.shape_cast %reduce_sum3A_250 : vector<8xf32> to vector<8x1xf32>
    %reciprocal3A_252 = tpu.reciprocal %broadcast_in_dim3A_251 {approx = true, full_range = false} : vector<8x1xf32> -> vector<8x1xf32>
    %get3A_253 = arith.constant 0 : index
    %get3A_254 = arith.constant 114688 : index
    %get3A_255 = vector.load %arg2[%get3A_253, %get3A_254] : memref<8x131072xf32, #tpu.memory_space<vmem>>, vector<8x8192xf32>
    %max3A_256 = arith.constant 1.000000e-10 : f32
    %max3A_257 = vector.broadcast %max3A_256 : f32 to vector<8x8192xf32>
    %max3A_258 = arith.maximumf %get3A_255, %max3A_257 : vector<8x8192xf32>
    %log3A_259 = math.log %max3A_258 : vector<8x8192xf32>
    %log3A_260 = arith.constant 2.000000e+00 : f32
    %log3A_261 = math.log %log3A_260 : f32
    %div3A_262 = vector.broadcast %log3A_261 : f32 to vector<8x8192xf32>
    %div3A_263 = arith.divf %log3A_259, %div3A_262 : vector<8x8192xf32>
    %mul3A_264 = arith.mulf %div3A_263, %div3A_263 : vector<8x8192xf32>
    %reciprocal3A_265 = tpu.reciprocal %mul3A_264 {approx = true, full_range = false} : vector<8x8192xf32> -> vector<8x8192xf32>
    %mul3A_266 = arith.mulf %exp3A, %reciprocal3A_265 : vector<8x8192xf32>
    %reduce_sum3A_267 = arith.constant dense<0.000000e+00> : vector<8xf32>
    %reduce_sum3A_268 = vector.multi_reduction <add>, %mul3A_266, %reduce_sum3A_267 [1] : vector<8x8192xf32> to vector<8xf32>
    %broadcast_in_dim3A_269 = vector.shape_cast %reduce_sum3A_268 : vector<8xf32> to vector<8x1xf32>
    %reciprocal3A_270 = tpu.reciprocal %broadcast_in_dim3A_269 {approx = true, full_range = false} : vector<8x1xf32> -> vector<8x1xf32>
    %get3A_271 = arith.constant 0 : index
    %get3A_272 = arith.constant 122880 : index
    %get3A_273 = vector.load %arg2[%get3A_271, %get3A_272] : memref<8x131072xf32, #tpu.memory_space<vmem>>, vector<8x8192xf32>
    %max3A_274 = arith.constant 1.000000e-10 : f32
    %max3A_275 = vector.broadcast %max3A_274 : f32 to vector<8x8192xf32>
    %max3A_276 = arith.maximumf %get3A_273, %max3A_275 : vector<8x8192xf32>
    %log3A_277 = math.log %max3A_276 : vector<8x8192xf32>
    %log3A_278 = arith.constant 2.000000e+00 : f32
    %log3A_279 = math.log %log3A_278 : f32
    %div3A_280 = vector.broadcast %log3A_279 : f32 to vector<8x8192xf32>
    %div3A_281 = arith.divf %log3A_277, %div3A_280 : vector<8x8192xf32>
    %mul3A_282 = arith.mulf %div3A_281, %div3A_281 : vector<8x8192xf32>
    %reciprocal3A_283 = tpu.reciprocal %mul3A_282 {approx = true, full_range = false} : vector<8x8192xf32> -> vector<8x8192xf32>
    %mul3A_284 = arith.mulf %exp3A, %reciprocal3A_283 : vector<8x8192xf32>
    %reduce_sum3A_285 = arith.constant dense<0.000000e+00> : vector<8xf32>
    %reduce_sum3A_286 = vector.multi_reduction <add>, %mul3A_284, %reduce_sum3A_285 [1] : vector<8x8192xf32> to vector<8xf32>
    %broadcast_in_dim3A_287 = vector.shape_cast %reduce_sum3A_286 : vector<8xf32> to vector<8x1xf32>
    %reciprocal3A_288 = tpu.reciprocal %broadcast_in_dim3A_287 {approx = true, full_range = false} : vector<8x1xf32> -> vector<8x1xf32>
    %mul3A_289 = vector.broadcast %reciprocal3A_18 : vector<8x1xf32> to vector<8x8192xf32>
    %mul3A_290 = arith.mulf %mul3A_15, %mul3A_289 : vector<8x8192xf32>
    %mul3A_291 = vector.broadcast %reciprocal3A_36 : vector<8x1xf32> to vector<8x8192xf32>
    %mul3A_292 = arith.mulf %mul3A_32, %mul3A_291 : vector<8x8192xf32>
    %max3A_293 = arith.maximumf %mul3A_290, %mul3A_292 : vector<8x8192xf32>
    %mul3A_294 = vector.broadcast %reciprocal3A_54 : vector<8x1xf32> to vector<8x8192xf32>
    %mul3A_295 = arith.mulf %mul3A_50, %mul3A_294 : vector<8x8192xf32>
    %max3A_296 = arith.maximumf %max3A_293, %mul3A_295 : vector<8x8192xf32>
    %mul3A_297 = vector.broadcast %reciprocal3A_72 : vector<8x1xf32> to vector<8x8192xf32>
    %mul3A_298 = arith.mulf %mul3A_68, %mul3A_297 : vector<8x8192xf32>
    %max3A_299 = arith.maximumf %max3A_296, %mul3A_298 : vector<8x8192xf32>
    %mul3A_300 = vector.broadcast %reciprocal3A_90 : vector<8x1xf32> to vector<8x8192xf32>
    %mul3A_301 = arith.mulf %mul3A_86, %mul3A_300 : vector<8x8192xf32>
    %max3A_302 = arith.maximumf %max3A_299, %mul3A_301 : vector<8x8192xf32>
    %mul3A_303 = vector.broadcast %reciprocal3A_108 : vector<8x1xf32> to vector<8x8192xf32>
    %mul3A_304 = arith.mulf %mul3A_104, %mul3A_303 : vector<8x8192xf32>
    %max3A_305 = arith.maximumf %max3A_302, %mul3A_304 : vector<8x8192xf32>
    %mul3A_306 = vector.broadcast %reciprocal3A_126 : vector<8x1xf32> to vector<8x8192xf32>
    %mul3A_307 = arith.mulf %mul3A_122, %mul3A_306 : vector<8x8192xf32>
    %max3A_308 = arith.maximumf %max3A_305, %mul3A_307 : vector<8x8192xf32>
    %mul3A_309 = vector.broadcast %reciprocal3A_144 : vector<8x1xf32> to vector<8x8192xf32>
    %mul3A_310 = arith.mulf %mul3A_140, %mul3A_309 : vector<8x8192xf32>
    %max3A_311 = arith.maximumf %max3A_308, %mul3A_310 : vector<8x8192xf32>
    %mul3A_312 = vector.broadcast %reciprocal3A_162 : vector<8x1xf32> to vector<8x8192xf32>
    %mul3A_313 = arith.mulf %mul3A_158, %mul3A_312 : vector<8x8192xf32>
    %max3A_314 = arith.maximumf %max3A_311, %mul3A_313 : vector<8x8192xf32>
    %mul3A_315 = vector.broadcast %reciprocal3A_180 : vector<8x1xf32> to vector<8x8192xf32>
    %mul3A_316 = arith.mulf %mul3A_176, %mul3A_315 : vector<8x8192xf32>
    %max3A_317 = arith.maximumf %max3A_314, %mul3A_316 : vector<8x8192xf32>
    %mul3A_318 = vector.broadcast %reciprocal3A_198 : vector<8x1xf32> to vector<8x8192xf32>
    %mul3A_319 = arith.mulf %mul3A_194, %mul3A_318 : vector<8x8192xf32>
    %max3A_320 = arith.maximumf %max3A_317, %mul3A_319 : vector<8x8192xf32>
    %mul3A_321 = vector.broadcast %reciprocal3A_216 : vector<8x1xf32> to vector<8x8192xf32>
    %mul3A_322 = arith.mulf %mul3A_212, %mul3A_321 : vector<8x8192xf32>
    %max3A_323 = arith.maximumf %max3A_320, %mul3A_322 : vector<8x8192xf32>
    %mul3A_324 = vector.broadcast %reciprocal3A_234 : vector<8x1xf32> to vector<8x8192xf32>
    %mul3A_325 = arith.mulf %mul3A_230, %mul3A_324 : vector<8x8192xf32>
    %max3A_326 = arith.maximumf %max3A_323, %mul3A_325 : vector<8x8192xf32>
    %mul3A_327 = vector.broadcast %reciprocal3A_252 : vector<8x1xf32> to vector<8x8192xf32>
    %mul3A_328 = arith.mulf %mul3A_248, %mul3A_327 : vector<8x8192xf32>
    %max3A_329 = arith.maximumf %max3A_326, %mul3A_328 : vector<8x8192xf32>
    %mul3A_330 = vector.broadcast %reciprocal3A_270 : vector<8x1xf32> to vector<8x8192xf32>
    %mul3A_331 = arith.mulf %mul3A_266, %mul3A_330 : vector<8x8192xf32>
    %max3A_332 = arith.maximumf %max3A_329, %mul3A_331 : vector<8x8192xf32>
    %mul3A_333 = vector.broadcast %reciprocal3A_288 : vector<8x1xf32> to vector<8x8192xf32>
    %mul3A_334 = arith.mulf %mul3A_284, %mul3A_333 : vector<8x8192xf32>
    %max3A_335 = arith.maximumf %max3A_332, %mul3A_334 : vector<8x8192xf32>
    %swap3A = arith.constant 0 : index
    %swap3A_336 = arith.constant 0 : index
    %swap3A_337 = vector.load %arg3[%swap3A, %swap3A_336] : memref<8x8192xf32, #tpu.memory_space<vmem>>, vector<8x8192xf32>
    tpu.vector_store %arg3[%swap3A, %swap3A_336], %max3A_335 {strides = array<i32>} : memref<8x8192xf32, #tpu.memory_space<vmem>>, vector<8x8192xf32>,
    return
  }
  func.func @transform_0(%arg0: i32) -> (i32, i32) {
    %c0_i32 = arith.constant 0 : i32
    %c0_i32_0 = arith.constant 0 : i32
    return %arg0, %c0_i32 : i32, i32
  }
  func.func @transform_1(%arg0: i32) -> (i32, i32) {
    %c0_i32 = arith.constant 0 : i32
    %c0_i32_0 = arith.constant 0 : i32
    return %arg0, %c0_i32 : i32, i32
  }
  func.func @transform_2(%arg0: i32) -> (i32, i32) {
    %c0_i32 = arith.constant 0 : i32
    %c0_i32_0 = arith.constant 0 : i32
    return %arg0, %c0_i32 : i32, i32
  }
}

</mosaic_0001>

<sc_bundles>
// kernel: sparse-core-data-format-call.cloned.1.call-start
scs
called_computation_lowered:
.L_overlay_start_0:
0x0: {  	s2 =	sld [smem:$0x3FD9]  }
0x1: {  	s3 =	sld [smem:$0x3FFE];
	_ =	sdelay $0x1  }
0x2: {  	s1 =	srdreg.scid  }
0x3: {  	s0 =	sand.u32 $0x1, s1  }
0x4: {  	s18 =	sshll.u32 s0, $0xA;
	s2 =	sadd.s32 s3, s2  }
0x5: {  	s2 =	sadd.s32 s2, s18  }
0x6: {  	[smem:$0x3FC6] =	sst s2  }
0x7: {  	_ = 	snop  }
0x8: {  	s2 =	sld [smem:$0x3FC8];
	(tm) =	ssettm $0x1  }
0x9: {  	s19 =	sld [smem:$0x3FFB];
	_ =	sdelay $0x3  }
0xa: {  	_ =	strace s19  }
0xb: {  	s3 =	sld [smem:$0x3FFC];
	_ =	sdelay $0x3  }
0xc: {  	_ =	strace s3  }
0xd: {  	s3 =	sld [smem:$0x3FFD];
	_ =	sdelay $0x3  }
0xe: {  	_ =	strace s3  }
0xf: {  	_ =	strace $0x8FFFFFFF  }
0x10: {  	s20 =	sld [smem:$0x3FDB];
	_ =	sdelay $0x1  }
0x11: {  	s4 =	simm.s32 $_scs_section_size  }
0x12: {  	s5 =	simm.s32 $_size__tile_overlayer_lowered;
	s6 =	simm.s32 $_tile_overlayer_lowered  }
0x13: {  	s23 =	simm.s32 $0x1BFF;
	s22 =	sshll.u32 s6, $0x1;
	s3 =	sadd.s32 s4, s20  }
0x14: {  	s7 =	simm.s32 $0x0;
	s21 =	sshll.u32 s5, $0x1;
	s5 =	sadd.s32 s22, s3  }
0x15: {  	[timem:s7], [sflag:s23] =	dma.local [hbm:s5], s21  }
0x16: {  	_ =	swait.ge [sflag:s23], s21  }
0x17: {  	s4 =	ssub.s32 $0x0, s21;
	[sflag:s23] =	ssyncset.done $0x0  }
0x18: {  	[sflag:s23] =	ssyncadd.s32 s4;
	_ =	sdelay $0x1  }
0x19: {  	s24 =	simm.s32 $0x1B8B  }
0x1a: {  	_ =	swait.ge [sflag:s24], $0x1  }
0x1b: {  	[sflag:s24] =	ssyncset.done $0x0  }
0x1c: {  	s26 =	simm.s32 $0x1B8E;
	s25 =	sld [smem:$0x3FFE];
	[sflag:s24] =	ssyncadd.s32 $0xFFFFFFFF  }
0x1d: {  	s27 =	simm.s32 $execute0_lowered;
	[smem:$0x3FD2] =	sst s26  }
0x1e: {  	s5 =	sshll.u32 s27, $0x1;
	_ =	strace $0x80000046;
	[dreg:$0x1] =	wrdreg $0xFFFFFFFF  }
0x1f: {  	s28 =	simm.s32 $_size_execute0_lowered;
	s3 =	sadd.s32 s3, s5;
	[dreg:$0x0] =	wrdreg $0x0  }
0x20: {  	s5 =	sshll.u32 s28, $0x1;
	[dreg:$0x2] =	wrdreg s3  }
0x21: {  	[dreg:$0x3] =	wrdreg s5  }
0x22: {  	[dreg:$0x4] =	wrdreg $0xC0  }
0x23: {  	_ =	task [dreg:s7], $0x5FFFF  }
0x24: {  	[dreg:$0x1] =	wrdreg $0xFFFFFFFF  }
0x25: {  	[dreg:$0x0] =	wrdreg $0x60  }
0x26: {  	[dreg:$0x2] =	wrdreg s2  }
0x27: {  	[dreg:$0x3] =	wrdreg s25  }
0x28: {  	[dreg:$0x4] =	wrdreg $0x9  }
0x29: {  	_ =	task.clear_ibuf [dreg:s7], $0x5FFFF;
	_ =	strace $0x90000046  }
0x2a: {  	s29 =	simm.s32 $0x9;
	_ =	strace $0x80000048  }
0x2b: {  	_ =	swait.ge [sflag:s29], $0x1  }
0x2c: {  	[sflag:s29] =	ssyncadd.s32 $0xFFFFFFFF  }
0x2d: {  	_ =	strace $0x90000048  }
0x2e: {  	_ =	sfence  }
0x2f: {  	s30 =	sld [smem:$0x0];
	_ =	sdelay $0x2  }
0x30: {  	s31 =	sshll.u32 s1, $0xD;
	s1 =	sshrl.u32 s1, $0x2  }
0x31: {  	s3 =	sand.u32 $0x4000, s31;
	s1 =	sadd.s32 s1, s30  }
0x32: {  	s0 =	sor.u32 s3, s0;
	s1 =	sshll.u32 s1, $0x11  }
0x33: {  	s0 =	sor.u32 s1, s0  }
0x34: {  	s0 =	sadd.s32 $0x8F2B, s0  }
0x35: {  	[sflag:s0] =	ssyncadd.remote.s32 $0x1  }
0x36: {  	_ =	sfence.sel $0xFFFF  }
0x37: {  	[dreg:$0x0] =	wrdreg $0xFFFFFFFF;
	(pc) =	sbr.abs _section_cstart, $3  }
0x38: {  	[dreg:$0x1] =	wrdreg $0xFFFFFFFF  }
0x39: {  	_ =	task.clear_ibuf [dreg:s7], $0x2FFFF;
	_ =	strace $0x9FFFFFFF  }
0x3a: {  	(tm) =	ssettm $0x7FFFFFFF  }
0x3b: {  	_ =	shalt  }
tec
execute0_lowered:
.L_overlay_start_1:
0x0: {  	(tag) =	ssettag $0x1  }
0x1: {  	s0 =	srdreg.scid;
	s1 =	rddreg [dreg:$0x0]  }
0x2: {  	s2 =	rddreg [dreg:$0x1];
	_ =	strace $0x80000047;
	s7 =	simm.s32 $0x2  }
0x3: {  	s15 =	simm.s32 $0x0;
	s8 =	simm.s32 $0x10000;
	s9 =	simm.s32 $0x0  }
0x4: {  	s16 =	simm.s32 $0x0;
	s18 =	simm.s32 $0x0;
	s0 =	sshll.u32 s0, $0x3  }
0x5: {  	s17 =	simm.s32 $0x0;
	s10 =	simm.s32 $0x0;
	s3 =	sand.u32 $0x8, s0  }
0x6: {  	s12 =	simm.s32 $0x0;
	s13 =	stileid.u32;
	s0 =	ssub.s32 $0x10, s3  }
.Ltmp0:
0x7: {  	s14 =	simm.s32 $0x0;
	s5 =	sshrl.u32 s0, $0x3;
	(pc) =	sbr.rel .LBB1_1-.Ltmp0, $4  }
0x8: {  	s24 =	simm.s32 $0x0;
	s0 =	sshrl.u32 s0, $0x4;
	s6 =	sand.u32 $0x1, s5  }
0x9: {  	s4 =	sadd.s32 $0x600, s2;
	s5 =	simm.s32 $0x1;
	s0 =	sadd.s32 s0, s6  }
0xa: {  	s2 =	stileid.u32;
	[sflag:s5] =	ssyncpa.u1 $0x0;
	s6 =	sshll.u32 s0, $0x5  }
0xb: {  	s11 =	smov.u32 s3;
	[sflag:s7] =	ssyncpa.u1 $0x0;
	s7 =	sor.u32 $0x1, s6  }
.LBB1_7:
0xc: {  	s0 =	sadd.s32 $0x100, s10  }
0xd: {  	s15 =	sadd.s32 $0x10, s11;
	s19 =	smov.u32 s11;
	p1 =	sgt.s32 s0, $0x1FFF  }
0xe: {  	s19 =	smov.u32 @p1 s15  }
0xf: {  	s20 =	smov.u32 s12;
	s15 =	sadd.s32 $0x8, s12;
	p2 =	sgt.s32 s19, $0xF  }
0x10: {  	s20 =	smov.u32 @p2 s15  }
0x11: {  	s21 =	smov.u32 s13;
	s15 =	sadd.s32 $0x10, s13;
	p3 =	sgt.s32 s20, $0x7  }
0x12: {  	p0 =	slt.u32 s14, $0x2;
	s21 =	smov.u32 @p3 s15  }
0x13: {  	s16 =	smov.u32 s11;
	s0 =	simm.s32 @p1 $0x0;
	p1 =	sgt.s32 s21, $0xF  }
0x14: {  	s22 =	simm.s32 @!p0 $0x2;
	s21 =	smov.u32 @p1 s2;
	p1 =	sne.s32 s14, s7  }
.Ltmp1:
0x15: {  	s18 =	smov.u32 s12;
	_ =	swait.ge @!p0 [sflag:s22], $0x4000;
	(pc) =	sbr.rel @!p1 .LBB1_8-.Ltmp1, $4  }
0x16: {  	s17 =	smov.u32 s13;
	[sflag:s22] =	ssyncset.done @!p0 $0x0;
	s19 =	smov.u32 @p2 s3  }
0x17: {  	s9 =	sadd.s32 $0x4000, s9;
	[sflag:s22] =	ssyncadd.s32 @!p0 $0xFFFFC000;
	s11 =	smov.u32 s19  }
0x18: {  	s20 =	simm.s32 @p3 $0x0;
	s15 =	smov.u32 s10;
	s10 =	smov.u32 s0  }
0x19: {  	s12 =	smov.u32 s20;
	s14 =	sadd.s32 $0x1, s14;
	s13 =	smov.u32 s21  }
.LBB1_1:
0x1a: {  	p0 =	sge.u32 s14, s6  }
0x1b: {  	s31 =	sadd.s32 $0xFFFFFFFF, s14;
	s0 =	sxor.u32 @!p0 $0xFFFFFFFF, s14;
	s19 =	sand.u32 @!p0 $0x78, s10  }
0x1c: {  	s20 =	sshll.u32 @!p0 s11, $0x7;
	s21 =	sshll.u32 @!p0 s11, $0xD;
	s22 =	sshll.u32 @!p0 s10, $0x3  }
0x1d: {  	s0 =	sshll.u32 @!p0 s0, $0xE;
	s20 =	sand.u32 @!p0 $0x380, s20;
	s21 =	sand.u32 @!p0 $0x10000, s21  }
0x1e: {  	s0 =	sand.u32 @!p0 $0x4000, s0;
	s19 =	sor.u32 @!p0 s20, s19;
	s20 =	sand.u32 @!p0 $0x1C00, s22  }
0x1f: {  	s21 =	sadd.s32 @!p0 s21, s22;
	s19 =	sor.u32 @!p0 s20, s19;
	s20 =	sshll.u32 @!p0 s13, $0x11  }
0x20: {  	s22 =	sshll.u32 @!p0 s12, $0xE;
	s21 =	sshrl.u32 @!p0 s21, $0x3;
	s20 =	sadd.s32 @!p0 s1, s20  }
0x21: {  	s21 =	sand.u32 @!p0 $0x3C00, s21;
	s20 =	sadd.s32 @!p0 s22, s20;
	s22 =	sand.u32 @!p0 $0x7, s10  }
0x22: {  	s19 =	sshrl.u32 @!p0 s19, $0x3;
	s20 =	sadd.s32 @!p0 s21, s20;
	s21 =	sshll.u32 @!p0 s22, $0x12  }
0x23: {  	s19 =	sadd.s32 @!p0 s19, s20;
	s20 =	sor.u32 @!p0 $0x800, s21;
	s21 =	simm.s32 @!p0 $0x20000  }
0x24: {  	[tilespmem:s0], [sflag:$0x1] =	stream.strided.gather @!p0 [hbm4b:s19+s20], $0x4000, s21, s20, $0x38;
	[tilespmem:$0x10000] =	vst v63  }
0x25: {  	p0 =	sge.u32 s31, s6  }
.Ltmp2:
0x26: {  	_ = 	snop;
	(pc) =	sbr.rel @p0 .LBB1_7-.Ltmp2, $1  }
0x27: {  	_ =	sdelay $0x3  }
0x28: {  	s0 =	sshll.u32 s9, $0x2;
	_ =	swait.ge [sflag:s5], $0x4000;
	s19 =	sshll.u32 s14, $0xE  }
0x29: {  	p0 =	por $0x0, $0x0;
	s25 =	simm.s32 $0x0;
	s26 =	simm.s32 $0x0  }
0x2a: {  	s0 =	sand.u32 $0x10000, s0;
	[sflag:s5] =	ssyncset.done $0x0;
	s22 =	sand.u32 $0x4000, s19  }
0x2b: {  	s0 =	sshrl.u32 s0, $0x2;
	[sflag:s5] =	ssyncadd.s32 $0xFFFFC000;
	s19 =	sor.u32 $0x8000, s22  }
0x2c: {  	s20 =	sor.u32 $0x40, s0;
	s21 =	sor.u32 $0x8410, s0;
	s23 =	sadd.s32 $0x8400, s0  }
.LBB1_3:
0x2d: {  	v1 =	vld [tilespmem:s20+$0xFFFFFFD0]  }
0x2e: {  	v2 =	vld [tilespmem:s20+$0x430]  }
0x2f: {  	s0 =	sshll.u32 s26, $0xB;
	v4 =	vld [tilespmem:s20+$0xFFFFFFE0]  }
0x30: {  	v7 =	vld [tilespmem:s20+$0xFFFFFFF0];
	v0 =	vmov s0  }
0x31: {  	v8 =	vld [tilespmem:s20+$0x0]  }
0x32: {  	v9 =	vld [tilespmem:s20+$0x10];
	s0 =	sand.u32 $0x300, s24  }
0x33: {  	s27 =	sand.u32 $0x80, s24;
	v10 =	vld [tilespmem:s20+$0x20];
	s0 =	sadd.s32 s0, s22  }
0x34: {  	v11 =	vld [tilespmem:s20+$0x30];
	s0 =	sadd.s32 s27, s0;
	s27 =	simm.s32 $0x1;
	[tilespmem:s21+$0x60] =	vst v2  }
0x35: {  	s27 =	simm.s32 @!p0 $0x0;
	[tilespmem:s21+$0xFFFFFC00] =	vst v1;
	v3 =	vld.idx.msk [tilespmem:v0+s0+$0x400 ss:$0x1], $0xffff;
	s0 =	sshll.u32 s25, $0x2  }
0x36: {  	v6 =	vld [tilespmem:s20+$0x3D0];
	s27 =	sshll.u32 s27, $0x9;
	[tilespmem:s21+$0xFFFFFC10] =	vst v4;
	s0 =	sand.u32 $0xFFFFFC00, s0  }
0x37: {  	v5 =	vld [tilespmem:s20+$0x3E0];
	[tilespmem:s21+$0xFFFFFC20] =	vst v7;
	s0 =	sor.u32 s27, s0  }
0x38: {  	[tilespmem:s21+$0xFFFFFC30] =	vst v8;
	v4 =	vld [tilespmem:s20+$0x400];
	s0 =	sshrl.u32 s0, $0x2  }
0x39: {  	[tilespmem:s21+$0xFFFFFC40] =	vst v9;
	v1 =	vld [tilespmem:s20+$0x410];
	s27 =	sadd.s32 s0, s23  }
0x3a: {  	[tilespmem:s27+$0x0] =	vst v3;
	v3 =	vld [tilespmem:s20+$0x3F0]  }
0x3b: {  	s31 =	simm.s32 $0x80;
	s30 =	simm.s32 $0x100;
	[tilespmem:s21+$0xFFFFFC50] =	vst v10;
	v2 =	vld [tilespmem:s20+$0x420]  }
0x3c: {  	s28 =	sadd.s32 $0x80, s20;
	s29 =	smov.u32 s21;
	v7 =	vld [tilespmem:s20+$0xFFFFFFC0];
	[tilespmem:s21+$0xFFFFFC60] =	vst v11;
	s0 =	sand.u32 $0x300, s31  }
.LBB1_4:
0x3d: {  	p1 =	sne.s32 s30, $0x380;
	v8 =	vld [tilespmem:s28+$0xFFFFFFD0];
	s31 =	sand.u32 $0x80, s31;
	s0 =	sadd.s32 s0, s22;
	[tilespmem:s29+$0x0] =	vst v6  }
0x3e: {  	s0 =	sadd.s32 s31, s0;
	v6 =	vld [tilespmem:s28+$0x430];
	[tilespmem:s29+$0x10] =	vst v5;
	s31 =	smov.u32 s30  }
0x3f: {  	v5 =	vld.idx.msk [tilespmem:v0+s0+$0x400 ss:$0x1], $0xffff;
	[tilespmem:s29+$0x20] =	vst v3  }
0x40: {  	v3 =	vld [tilespmem:s28+$0xFFFFFFE0];
	[tilespmem:s29+$0x30] =	vst v4  }
0x41: {  	v4 =	vld [tilespmem:s28+$0xFFFFFFF0];
	[tilespmem:s29+$0xFFFFFBF0] =	vst v7  }
0x42: {  	v7 =	vld [tilespmem:s28+$0x0];
	[tilespmem:s29+$0x40] =	vst v1  }
0x43: {  	v1 =	vld [tilespmem:s28+$0x10];
	[tilespmem:s29+$0x50] =	vst v2;
	s29 =	sadd.s32 $0x800, s29  }
0x44: {  	s27 =	sadd.s32 $0x800, s27;
	v2 =	vld [tilespmem:s28+$0x20];
	[tilespmem:s29+$0x60] =	vst v6  }
0x45: {  	v9 =	vld [tilespmem:s28+$0x30];
	[tilespmem:s27+$0x0] =	vst v5  }
0x46: {  	[tilespmem:s29+$0xFFFFFC00] =	vst v8;
	v6 =	vld [tilespmem:s28+$0x3D0]  }
0x47: {  	[tilespmem:s29+$0xFFFFFC10] =	vst v3;
	v5 =	vld [tilespmem:s28+$0x3E0]  }
.Ltmp3:
0x48: {  	[tilespmem:s29+$0xFFFFFC20] =	vst v4;
	v3 =	vld [tilespmem:s28+$0x3F0];
	(pc) =	sbr.rel @p1 .LBB1_4-.Ltmp3, $4  }
0x49: {  	[tilespmem:s29+$0xFFFFFC30] =	vst v7;
	v4 =	vld [tilespmem:s28+$0x400]  }
0x4a: {  	[tilespmem:s29+$0xFFFFFC40] =	vst v1;
	v1 =	vld [tilespmem:s28+$0x410]  }
0x4b: {  	[tilespmem:s29+$0xFFFFFC50] =	vst v2;
	v2 =	vld [tilespmem:s28+$0x420]  }
0x4c: {  	s30 =	sadd.s32 $0x80, s30;
	s0 =	sand.u32 $0x300, s31;
	v7 =	vld [tilespmem:s28+$0xFFFFFFC0];
	[tilespmem:s29+$0xFFFFFC60] =	vst v9;
	s28 =	sadd.s32 $0x80, s28  }
0x4d: {  	[tilespmem:s29+$0x0] =	vst v6  }
0x4e: {  	[tilespmem:s29+$0x10] =	vst v5  }
0x4f: {  	v49 =	vld [tilespmem:s28+$0x430];
	[tilespmem:s29+$0x20] =	vst v3  }
0x50: {  	v50 =	vld [tilespmem:s28+$0xFFFFFFD0];
	[tilespmem:s29+$0x30] =	vst v4  }
0x51: {  	v51 =	vld [tilespmem:s28+$0xFFFFFFE0];
	[tilespmem:s29+$0x40] =	vst v1  }
0x52: {  	v52 =	vld [tilespmem:s28+$0xFFFFFFF0];
	[tilespmem:s29+$0x50] =	vst v2  }
0x53: {  	s30 =	sand.u32 $0x80, s31;
	s31 =	sadd.s32 $0x800, s29;
	v53 =	vld [tilespmem:s28+$0x0];
	[tilespmem:s29+$0xFFFFFBF0] =	vst v7  }
0x54: {  	v54 =	vld [tilespmem:s28+$0x10];
	[tilespmem:s31+$0x60] =	vst v49  }
0x55: {  	v55 =	vld [tilespmem:s28+$0x20];
	[tilespmem:s31+$0xFFFFFC00] =	vst v50  }
0x56: {  	v56 =	vld [tilespmem:s28+$0x30];
	[tilespmem:s31+$0xFFFFFC10] =	vst v51  }
0x57: {  	v57 =	vld [tilespmem:s28+$0x3D0];
	[tilespmem:s31+$0xFFFFFC20] =	vst v52  }
0x58: {  	v58 =	vld [tilespmem:s28+$0x3E0];
	[tilespmem:s31+$0xFFFFFC30] =	vst v53  }
0x59: {  	v59 =	vld [tilespmem:s28+$0x3F0];
	[tilespmem:s31+$0xFFFFFC40] =	vst v54  }
0x5a: {  	v60 =	vld [tilespmem:s28+$0x400];
	[tilespmem:s31+$0xFFFFFC50] =	vst v55  }
0x5b: {  	v61 =	vld [tilespmem:s28+$0xFFFFFFC0];
	[tilespmem:s31+$0xFFFFFC60] =	vst v56  }
0x5c: {  	s0 =	sadd.s32 s0, s22;
	v62 =	vld [tilespmem:s28+$0x410];
	[tilespmem:s31+$0x0] =	vst v57  }
0x5d: {  	v63 =	vld [tilespmem:s28+$0x420];
	s26 =	sadd.s32 $0x1, s26;
	s0 =	sadd.s32 s30, s0;
	[tilespmem:s31+$0x10] =	vst v58  }
0x5e: {  	p1 =	sne.s32 s26, $0x8;
	v0 =	vld.idx.msk [tilespmem:v0+s0+$0x400 ss:$0x1], $0xffff;
	[tilespmem:s31+$0x20] =	vst v59  }
.Ltmp4:
0x5f: {  	[tilespmem:s31+$0x30] =	vst v60;
	(pc) =	sbr.rel @p1 .LBB1_3-.Ltmp4, $4  }
0x60: {  	[tilespmem:s31+$0xFFFFFBF0] =	vst v61  }
0x61: {  	[tilespmem:s31+$0x40] =	vst v62  }
0x62: {  	s27 =	sadd.s32 $0x800, s27;
	s20 =	sadd.s32 $0x800, s20;
	[tilespmem:s31+$0x50] =	vst v63  }
0x63: {  	s25 =	sadd.s32 $0x80, s25;
	p0 =	por !p0, !p0;
	s21 =	sadd.s32 $0x80, s21;
	[tilespmem:s27+$0x0] =	vst v0  }
0x64: {  	s0 =	sshll.u32 s18, $0x7;
	s29 =	sand.u32 $0x78, s15  }
0x65: {  	s20 =	sshll.u32 s15, $0x3;
	s17 =	sshll.u32 s17, $0x11;
	s16 =	sshll.u32 s16, $0xD  }
0x66: {  	s30 =	sand.u32 $0x1C00, s15;
	s0 =	sand.u32 $0x380, s0;
	s20 =	sand.u32 $0x1C00, s20  }
.Ltmp5:
0x67: {  	s17 =	sadd.s32 s4, s17;
	s0 =	sor.u32 s0, s29;
	(pc) =	sbr.rel .LBB1_7-.Ltmp5, $4  }
0x68: {  	s31 =	sand.u32 $0x7, s15;
	s16 =	sadd.s32 s16, s17;
	s0 =	sor.u32 s20, s0  }
0x69: {  	s15 =	sshll.u32 s31, $0x12;
	s16 =	sadd.s32 s30, s16;
	s0 =	sshrl.u32 s0, $0x3  }
0x6a: {  	s15 =	sor.u32 $0x800, s15;
	s0 =	sadd.s32 s0, s16  }
0x6b: {  	[hbm4b:s0+s15] =	stream.strided.scatter [tilespmem:s19], [sflag:$0x2], $0x4000, s8, s15, $0x38;
	[tilespmem:$0x10000] =	vst v63  }
.LBB1_8:
0x6c: {  	_ =	sfence.sel $0x180000  }
0x6d: {  	s0 =	simm.s32 $0x1;
	[bflag:$0x0] =	sbarrier.arrive $0xFFFF  }
0x6e: {  	s31 =	simm.s32 $0x2;
	[sflag:s0] =	ssyncpa.u1 $0x1  }
0x6f: {  	[sflag:s31] =	ssyncpa.u1 $0x1  }
0x70: {  	_ =	strace $0x90000047  }
0x71: {  	[bflag:$0x2] =	sbarrier.arrive $0xFFFF  }
0x72: {  	p0 =	sne.s32 s2, $0x0;
	s0 =	rddreg [dreg:$0x2]  }
0x73: {  	s0 =	sadd.s32 @!p0 $0x100000, s0  }
0x74: {  	[sflag:s0] =	ssyncadd.tile.s32 @!p0 $0x1;
	_ =	shalt  }
.Lfunc_end1:
_tile_overlayer_lowered:
.L_overlay_start_2:
0x75: {  	(tag) =	ssettag $0x2  }
0x76: {  	s0 =	rddreg [dreg:$0x0];
	s2 =	stileid.u32  }
0x77: {  	s1 =	rddreg [dreg:$0x1];
	p0 =	sne.s32 s2, $0x0  }
0x78: {  	s3 =	rddreg [dreg:$0x2];
	[bflag:$0x3] =	sbarrier.arrive $0xFFFF;
	s2 =	simm.s32 @!p0 $0x1C01  }
0x79: {  	[timem:s3], [sflag:s2] =	dma.local @!p0 [hbm:s0], s1  }
0x7a: {  	s0 =	simm.s32 @!p0 $0x1  }
0x7b: {  	_ =	swait.ge @!p0 [sflag:s0], s1  }
0x7c: {  	s1 =	ssub.s32 @!p0 $0x0, s1;
	[sflag:s0] =	ssyncset.done @!p0 $0x0  }
0x7d: {  	[sflag:s0] =	ssyncadd.s32 @!p0 s1  }
0x7e: {  	[bflag:$0x3] =	sbarrier.arrive $0xFFFF  }
0x7f: {  	_ =	shalt  }

</sc_bundles>
